<compile_context>
chip_gen: v7x
topology: tpu7x:2x2x1
jax: 0.10.2.dev20260603
libtpu: 0.0.44.dev20260713+nightly
codegen_flags: <defaults>
</compile_context>

<pallas_src>
import functools

import jax
import jax.numpy as jnp
from jax import lax
from jax.experimental import pallas as pl
from jax.experimental.pallas import tpu as pltpu
from jax.experimental.pallas import tpu_sc as plsc

NUM_CORES = 2
NUM_SUBCORES = 16
NUM_WORKERS = NUM_CORES * NUM_SUBCORES

BATCH = 16384
EMBED_DIM = 128
B_PER_W = BATCH // NUM_WORKERS
CHUNK = 128
NBUF = 4
CHUNKS_PER_TABLE = B_PER_W // CHUNK
NCHUNKS = 2 * CHUNKS_PER_TABLE


def _build_lookup():
    mesh = plsc.VectorSubcoreMesh(core_axis_name="c", subcore_axis_name="s")

    @functools.partial(
        pl.kernel,
        mesh=mesh,
        out_type=[
            jax.ShapeDtypeStruct((BATCH, EMBED_DIM), jnp.float32),
            jax.ShapeDtypeStruct((BATCH, EMBED_DIM), jnp.float32),
        ],
        scratch_types=(
            [pltpu.VMEM((B_PER_W,), jnp.int32)] * 2
            + [pltpu.VMEM((CHUNK, EMBED_DIM), jnp.float32)] * NBUF
            + [pltpu.SemaphoreType.DMA] * (2 * NBUF + 1)
        ),
    )
    def lookup(uidx_hbm, gidx_hbm, utab_hbm, gtab_hbm,
               uout_hbm, gout_hbm, uidx_v, gidx_v, *rest):
        bufs = rest[:NBUF]
        gsems = rest[NBUF:2 * NBUF]
        wsems = rest[2 * NBUF:3 * NBUF]
        isem = rest[3 * NBUF]
        wid = lax.axis_index("s") * NUM_CORES + lax.axis_index("c")
        base = wid * B_PER_W

        idx_cp_u = pltpu.async_copy(uidx_hbm.at[pl.ds(base, B_PER_W)], uidx_v, isem)
        idx_cp_g = pltpu.async_copy(gidx_hbm.at[pl.ds(base, B_PER_W)], gidx_v, isem)
        idx_cp_u.wait()
        idx_cp_g.wait()

        def chunk_refs(i):
            if i < CHUNKS_PER_TABLE:
                off = i * CHUNK
                return uidx_v.at[pl.ds(off, CHUNK)], utab_hbm, uout_hbm, off
            off = (i - CHUNKS_PER_TABLE) * CHUNK
            return gidx_v.at[pl.ds(off, CHUNK)], gtab_hbm, gout_hbm, off

        def start_gather(i, b):
            idx, tab, _, _ = chunk_refs(i)
            return pltpu.async_copy(tab.at[idx], bufs[b], gsems[b])

        def start_write(i, b):
            _, _, out, off = chunk_refs(i)
            return pltpu.async_copy(bufs[b], out.at[pl.ds(base + off, CHUNK)],
                                    wsems[b])

        gcp = [start_gather(b, b) for b in range(NBUF)] + [None] * (NCHUNKS - NBUF)
        wcp = [None] * NCHUNKS
        for i in range(NCHUNKS):
            b = i % NBUF
            gcp[i].wait()
            wcp[i] = start_write(i, b)
            if i + NBUF < NCHUNKS:
                wcp[i].wait()
                gcp[i + NBUF] = start_gather(i + NBUF, b)
        for i in range(NCHUNKS - NBUF, NCHUNKS):
            wcp[i].wait()

    return lookup


_lookup = _build_lookup()


def kernel(user_input, game_input, user_table, game_table):
    out = _lookup(user_input.astype(jnp.int32), game_input.astype(jnp.int32),
                  user_table, game_table)
    return (out[0], out[1])

# --- scband reference (transcript-rebuilt; emitter-appended) ---
"""Pipeline reference for scband-matrix-factorization-35708358099349 (READ-ONLY COPY).

The authoritative reference and input builder live on the scoring server;
editing this copy changes nothing except your own understanding.
"""

import jax, jax.numpy as jnp
import numpy as np

NUM_USERS = 100000
NUM_GAMES = 100000
EMBED_DIM = 128
BATCH = 16384

def setup_inputs(seed: int = 0) -> dict:
    key = jax.random.key(seed)
    k1, k2, k3, k4 = jax.random.split(key, 4)
    user_input = jax.random.randint(k1, (BATCH,), 0, NUM_USERS, dtype=jnp.int64 if jax.config.jax_enable_x64 else jnp.int32).astype(jnp.int32)
    game_input = jax.random.randint(k2, (BATCH,), 0, NUM_GAMES, dtype=jnp.int32)
    # Keras Embedding default initializer is uniform(-0.05, 0.05)
    user_table = jax.random.uniform(k3, (NUM_USERS, EMBED_DIM), dtype=jnp.float32, minval=-0.05, maxval=0.05)
    game_table = jax.random.uniform(k4, (NUM_GAMES, EMBED_DIM), dtype=jnp.float32, minval=-0.05, maxval=0.05)
    return {"user_input": user_input, "game_input": game_input, "user_table": user_table, "game_table": game_table}

def reference(user_input, game_input, user_table, game_table):
    user_embedding = jnp.take(user_table, user_input, axis=0)
    game_embedding = jnp.take(game_table, game_input, axis=0)
    return (user_embedding, game_embedding)

if __name__ == "__main__":
    import jax
    _d = setup_inputs()
    print(jax.jit(kernel)(*tuple(_d.values())))

</pallas_src>

<mosaic_0001>
#map = affine_map<(d0, d1) -> (0)>
#map1 = affine_map<(d0, d1) -> (0, 0)>
module attributes {stable_mosaic.version = 14 : i64} {
  func.func @lookup(%arg0: i32, %arg1: i32, %arg2: memref<16384xi32, #tpu.memory_space<hbm>>, %arg3: memref<16384xi32, #tpu.memory_space<hbm>>, %arg4: memref<100000x128xf32, #tpu.memory_space<hbm>>, %arg5: memref<100000x128xf32, #tpu.memory_space<hbm>>, %arg6: memref<16384x128xf32, #tpu.memory_space<hbm>>, %arg7: memref<16384x128xf32, #tpu.memory_space<hbm>>, %arg8: memref<512xi32, #tpu.memory_space<vmem>>, %arg9: memref<512xi32, #tpu.memory_space<vmem>>, %arg10: memref<128x128xf32, #tpu.memory_space<vmem>>, %arg11: memref<128x128xf32, #tpu.memory_space<vmem>>, %arg12: memref<128x128xf32, #tpu.memory_space<vmem>>, %arg13: memref<128x128xf32, #tpu.memory_space<vmem>>, %arg14: memref<!tpu.dma_semaphore, #tpu.memory_space<semaphore_mem>>, %arg15: memref<!tpu.dma_semaphore, #tpu.memory_space<semaphore_mem>>, %arg16: memref<!tpu.dma_semaphore, #tpu.memory_space<semaphore_mem>>, %arg17: memref<!tpu.dma_semaphore, #tpu.memory_space<semaphore_mem>>, %arg18: memref<!tpu.dma_semaphore, #tpu.memory_space<semaphore_mem>>, %arg19: memref<!tpu.dma_semaphore, #tpu.memory_space<semaphore_mem>>, %arg20: memref<!tpu.dma_semaphore, #tpu.memory_space<semaphore_mem>>, %arg21: memref<!tpu.dma_semaphore, #tpu.memory_space<semaphore_mem>>, %arg22: memref<!tpu.dma_semaphore, #tpu.memory_space<semaphore_mem>>) attributes {dimension_semantics = [#tpu.dimension_semantics<core_parallel>, #tpu.dimension_semantics<subcore_parallel>], iteration_bounds = array<i64: 2, 16>, scalar_prefetch = 0 : i64, scratch_operands = 15 : i64, tpu.core_type = #tpu.core_type<sc_vector_subcore>, window_params = [{transform_indices = #map}, {transform_indices = #map}, {transform_indices = #map1}, {transform_indices = #map1}, {transform_indices = #map1}, {transform_indices = #map1}]} {
    %mul3A = arith.constant 2 : i32
    %mul3A_0 = arith.muli %arg1, %mul3A : i32
    %add3A = arith.addi %mul3A_0, %arg0 : i32
    %mul3A_1 = arith.constant 512 : i32
    %mul3A_2 = arith.muli %add3A, %mul3A_1 : i32
    %dma_start3A = tpu.memref_slice %arg2[%mul3A_2] : memref<16384xi32, #tpu.memory_space<hbm>> -> memref<512xi32, #tpu.memory_space<hbm>>
    %dma_start3A_3 = tpu.memref_slice %arg2[%mul3A_2] : memref<16384xi32, #tpu.memory_space<hbm>> -> memref<512xi32, #tpu.memory_space<hbm>>
    tpu.enqueue_dma source(%dma_start3A_3 : memref<512xi32, #tpu.memory_space<hbm>>) target(%arg8 : memref<512xi32, #tpu.memory_space<vmem>>) target_semaphore(%arg22 : memref<!tpu.dma_semaphore, #tpu.memory_space<semaphore_mem>>)
    %dma_start3A_4 = tpu.memref_slice %arg3[%mul3A_2] : memref<16384xi32, #tpu.memory_space<hbm>> -> memref<512xi32, #tpu.memory_space<hbm>>
    %dma_start3A_5 = tpu.memref_slice %arg3[%mul3A_2] : memref<16384xi32, #tpu.memory_space<hbm>> -> memref<512xi32, #tpu.memory_space<hbm>>
    tpu.enqueue_dma source(%dma_start3A_5 : memref<512xi32, #tpu.memory_space<hbm>>) target(%arg9 : memref<512xi32, #tpu.memory_space<vmem>>) target_semaphore(%arg22 : memref<!tpu.dma_semaphore, #tpu.memory_space<semaphore_mem>>)
    %dma_wait3A = tpu.memref_slice %arg2[%mul3A_2] : memref<16384xi32, #tpu.memory_space<hbm>> -> memref<512xi32, #tpu.memory_space<hbm>>
    %dma_wait3A_6 = tpu.memref_slice %arg2[%mul3A_2] : memref<16384xi32, #tpu.memory_space<hbm>> -> memref<512xi32, #tpu.memory_space<hbm>>
    tpu.wait_dma2 semaphore(%arg22 : memref<!tpu.dma_semaphore, #tpu.memory_space<semaphore_mem>>) src(%dma_wait3A_6 : memref<512xi32, #tpu.memory_space<hbm>>) dst(%arg8 : memref<512xi32, #tpu.memory_space<vmem>>)
    %dma_wait3A_7 = tpu.memref_slice %arg3[%mul3A_2] : memref<16384xi32, #tpu.memory_space<hbm>> -> memref<512xi32, #tpu.memory_space<hbm>>
    %dma_wait3A_8 = tpu.memref_slice %arg3[%mul3A_2] : memref<16384xi32, #tpu.memory_space<hbm>> -> memref<512xi32, #tpu.memory_space<hbm>>
    tpu.wait_dma2 semaphore(%arg22 : memref<!tpu.dma_semaphore, #tpu.memory_space<semaphore_mem>>) src(%dma_wait3A_8 : memref<512xi32, #tpu.memory_space<hbm>>) dst(%arg9 : memref<512xi32, #tpu.memory_space<vmem>>)
    %dma_start3A_9 = arith.constant 0 : i32
    %dma_start3A_10 = tpu.memref_slice %arg8[%dma_start3A_9] : memref<512xi32, #tpu.memory_space<vmem>> -> memref<128xi32, #tpu.memory_space<vmem>>
    %dma_start3A_11 = arith.constant 0 : i32
    %dma_start3A_12 = arith.constant 0 : i32
    %dma_start3A_13 = tpu.memref_slice %arg4[%dma_start3A_11, %dma_start3A_12] : memref<100000x128xf32, #tpu.memory_space<hbm>> -> memref<100000x128xf32, #tpu.memory_space<hbm>>
    tpu.enqueue_indirect_dma source(%dma_start3A_13 : memref<100000x128xf32, #tpu.memory_space<hbm>>) target(%arg10 : memref<128x128xf32, #tpu.memory_space<vmem>>) offsets(%dma_start3A_10 : memref<128xi32, #tpu.memory_space<vmem>>) semaphore(%arg14 : memref<!tpu.dma_semaphore, #tpu.memory_space<semaphore_mem>>)
    %dma_start3A_14 = arith.constant 128 : i32
    %dma_start3A_15 = tpu.memref_slice %arg8[%dma_start3A_14] : memref<512xi32, #tpu.memory_space<vmem>> -> memref<128xi32, #tpu.memory_space<vmem>>
    %dma_start3A_16 = arith.constant 0 : i32
    %dma_start3A_17 = arith.constant 0 : i32
    %dma_start3A_18 = tpu.memref_slice %arg4[%dma_start3A_16, %dma_start3A_17] : memref<100000x128xf32, #tpu.memory_space<hbm>> -> memref<100000x128xf32, #tpu.memory_space<hbm>>
    tpu.enqueue_indirect_dma source(%dma_start3A_18 : memref<100000x128xf32, #tpu.memory_space<hbm>>) target(%arg11 : memref<128x128xf32, #tpu.memory_space<vmem>>) offsets(%dma_start3A_15 : memref<128xi32, #tpu.memory_space<vmem>>) semaphore(%arg15 : memref<!tpu.dma_semaphore, #tpu.memory_space<semaphore_mem>>)
    %dma_start3A_19 = arith.constant 256 : i32
    %dma_start3A_20 = tpu.memref_slice %arg8[%dma_start3A_19] : memref<512xi32, #tpu.memory_space<vmem>> -> memref<128xi32, #tpu.memory_space<vmem>>
    %dma_start3A_21 = arith.constant 0 : i32
    %dma_start3A_22 = arith.constant 0 : i32
    %dma_start3A_23 = tpu.memref_slice %arg4[%dma_start3A_21, %dma_start3A_22] : memref<100000x128xf32, #tpu.memory_space<hbm>> -> memref<100000x128xf32, #tpu.memory_space<hbm>>
    tpu.enqueue_indirect_dma source(%dma_start3A_23 : memref<100000x128xf32, #tpu.memory_space<hbm>>) target(%arg12 : memref<128x128xf32, #tpu.memory_space<vmem>>) offsets(%dma_start3A_20 : memref<128xi32, #tpu.memory_space<vmem>>) semaphore(%arg16 : memref<!tpu.dma_semaphore, #tpu.memory_space<semaphore_mem>>)
    %dma_start3A_24 = arith.constant 384 : i32
    %dma_start3A_25 = tpu.memref_slice %arg8[%dma_start3A_24] : memref<512xi32, #tpu.memory_space<vmem>> -> memref<128xi32, #tpu.memory_space<vmem>>
    %dma_start3A_26 = arith.constant 0 : i32
    %dma_start3A_27 = arith.constant 0 : i32
    %dma_start3A_28 = tpu.memref_slice %arg4[%dma_start3A_26, %dma_start3A_27] : memref<100000x128xf32, #tpu.memory_space<hbm>> -> memref<100000x128xf32, #tpu.memory_space<hbm>>
    tpu.enqueue_indirect_dma source(%dma_start3A_28 : memref<100000x128xf32, #tpu.memory_space<hbm>>) target(%arg13 : memref<128x128xf32, #tpu.memory_space<vmem>>) offsets(%dma_start3A_25 : memref<128xi32, #tpu.memory_space<vmem>>) semaphore(%arg17 : memref<!tpu.dma_semaphore, #tpu.memory_space<semaphore_mem>>)
    %dma_wait3A_29 = arith.constant 0 : i32
    %dma_wait3A_30 = tpu.memref_slice %arg8[%dma_wait3A_29] : memref<512xi32, #tpu.memory_space<vmem>> -> memref<128xi32, #tpu.memory_space<vmem>>
    %dma_wait3A_31 = arith.constant 0 : i32
    %dma_wait3A_32 = arith.constant 0 : i32
    %dma_wait3A_33 = tpu.memref_slice %arg4[%dma_wait3A_31, %dma_wait3A_32] : memref<100000x128xf32, #tpu.memory_space<hbm>> -> memref<100000x128xf32, #tpu.memory_space<hbm>>
    tpu.wait_indirect_dma semaphore(%arg14 : memref<!tpu.dma_semaphore, #tpu.memory_space<semaphore_mem>>) src(%dma_wait3A_33 : memref<100000x128xf32, #tpu.memory_space<hbm>>) dst(%arg10 : memref<128x128xf32, #tpu.memory_space<vmem>>)
    %add3A_34 = arith.constant 0 : i32
    %add3A_35 = arith.addi %mul3A_2, %add3A_34 : i32
    %dma_start3A_36 = arith.constant 0 : i32
    %dma_start3A_37 = tpu.memref_slice %arg6[%add3A_35, %dma_start3A_36] : memref<16384x128xf32, #tpu.memory_space<hbm>> -> memref<128x128xf32, #tpu.memory_space<hbm>>
    %dma_start3A_38 = arith.constant 0 : i32
    %dma_start3A_39 = tpu.memref_slice %arg6[%add3A_35, %dma_start3A_38] : memref<16384x128xf32, #tpu.memory_space<hbm>> -> memref<128x128xf32, #tpu.memory_space<hbm>>
    tpu.enqueue_dma source(%arg10 : memref<128x128xf32, #tpu.memory_space<vmem>>) target(%dma_start3A_39 : memref<128x128xf32, #tpu.memory_space<hbm>>) target_semaphore(%arg18 : memref<!tpu.dma_semaphore, #tpu.memory_space<semaphore_mem>>)
    %dma_wait3A_40 = arith.constant 0 : i32
    %dma_wait3A_41 = tpu.memref_slice %arg6[%add3A_35, %dma_wait3A_40] : memref<16384x128xf32, #tpu.memory_space<hbm>> -> memref<128x128xf32, #tpu.memory_space<hbm>>
    %dma_wait3A_42 = arith.constant 0 : i32
    %dma_wait3A_43 = tpu.memref_slice %arg6[%add3A_35, %dma_wait3A_42] : memref<16384x128xf32, #tpu.memory_space<hbm>> -> memref<128x128xf32, #tpu.memory_space<hbm>>
    tpu.wait_dma2 semaphore(%arg18 : memref<!tpu.dma_semaphore, #tpu.memory_space<semaphore_mem>>) src(%arg10 : memref<128x128xf32, #tpu.memory_space<vmem>>) dst(%dma_wait3A_43 : memref<128x128xf32, #tpu.memory_space<hbm>>)
    %dma_start3A_44 = arith.constant 0 : i32
    %dma_start3A_45 = tpu.memref_slice %arg9[%dma_start3A_44] : memref<512xi32, #tpu.memory_space<vmem>> -> memref<128xi32, #tpu.memory_space<vmem>>
    %dma_start3A_46 = arith.constant 0 : i32
    %dma_start3A_47 = arith.constant 0 : i32
    %dma_start3A_48 = tpu.memref_slice %arg5[%dma_start3A_46, %dma_start3A_47] : memref<100000x128xf32, #tpu.memory_space<hbm>> -> memref<100000x128xf32, #tpu.memory_space<hbm>>
    tpu.enqueue_indirect_dma source(%dma_start3A_48 : memref<100000x128xf32, #tpu.memory_space<hbm>>) target(%arg10 : memref<128x128xf32, #tpu.memory_space<vmem>>) offsets(%dma_start3A_45 : memref<128xi32, #tpu.memory_space<vmem>>) semaphore(%arg14 : memref<!tpu.dma_semaphore, #tpu.memory_space<semaphore_mem>>)
    %dma_wait3A_49 = arith.constant 128 : i32
    %dma_wait3A_50 = tpu.memref_slice %arg8[%dma_wait3A_49] : memref<512xi32, #tpu.memory_space<vmem>> -> memref<128xi32, #tpu.memory_space<vmem>>
    %dma_wait3A_51 = arith.constant 0 : i32
    %dma_wait3A_52 = arith.constant 0 : i32
    %dma_wait3A_53 = tpu.memref_slice %arg4[%dma_wait3A_51, %dma_wait3A_52] : memref<100000x128xf32, #tpu.memory_space<hbm>> -> memref<100000x128xf32, #tpu.memory_space<hbm>>
    tpu.wait_indirect_dma semaphore(%arg15 : memref<!tpu.dma_semaphore, #tpu.memory_space<semaphore_mem>>) src(%dma_wait3A_53 : memref<100000x128xf32, #tpu.memory_space<hbm>>) dst(%arg11 : memref<128x128xf32, #tpu.memory_space<vmem>>)
    %add3A_54 = arith.constant 128 : i32
    %add3A_55 = arith.addi %mul3A_2, %add3A_54 : i32
    %dma_start3A_56 = arith.constant 0 : i32
    %dma_start3A_57 = tpu.memref_slice %arg6[%add3A_55, %dma_start3A_56] : memref<16384x128xf32, #tpu.memory_space<hbm>> -> memref<128x128xf32, #tpu.memory_space<hbm>>
    %dma_start3A_58 = arith.constant 0 : i32
    %dma_start3A_59 = tpu.memref_slice %arg6[%add3A_55, %dma_start3A_58] : memref<16384x128xf32, #tpu.memory_space<hbm>> -> memref<128x128xf32, #tpu.memory_space<hbm>>
    tpu.enqueue_dma source(%arg11 : memref<128x128xf32, #tpu.memory_space<vmem>>) target(%dma_start3A_59 : memref<128x128xf32, #tpu.memory_space<hbm>>) target_semaphore(%arg19 : memref<!tpu.dma_semaphore, #tpu.memory_space<semaphore_mem>>)
    %dma_wait3A_60 = arith.constant 0 : i32
    %dma_wait3A_61 = tpu.memref_slice %arg6[%add3A_55, %dma_wait3A_60] : memref<16384x128xf32, #tpu.memory_space<hbm>> -> memref<128x128xf32, #tpu.memory_space<hbm>>
    %dma_wait3A_62 = arith.constant 0 : i32
    %dma_wait3A_63 = tpu.memref_slice %arg6[%add3A_55, %dma_wait3A_62] : memref<16384x128xf32, #tpu.memory_space<hbm>> -> memref<128x128xf32, #tpu.memory_space<hbm>>
    tpu.wait_dma2 semaphore(%arg19 : memref<!tpu.dma_semaphore, #tpu.memory_space<semaphore_mem>>) src(%arg11 : memref<128x128xf32, #tpu.memory_space<vmem>>) dst(%dma_wait3A_63 : memref<128x128xf32, #tpu.memory_space<hbm>>)
    %dma_start3A_64 = arith.constant 128 : i32
    %dma_start3A_65 = tpu.memref_slice %arg9[%dma_start3A_64] : memref<512xi32, #tpu.memory_space<vmem>> -> memref<128xi32, #tpu.memory_space<vmem>>
    %dma_start3A_66 = arith.constant 0 : i32
    %dma_start3A_67 = arith.constant 0 : i32
    %dma_start3A_68 = tpu.memref_slice %arg5[%dma_start3A_66, %dma_start3A_67] : memref<100000x128xf32, #tpu.memory_space<hbm>> -> memref<100000x128xf32, #tpu.memory_space<hbm>>
    tpu.enqueue_indirect_dma source(%dma_start3A_68 : memref<100000x128xf32, #tpu.memory_space<hbm>>) target(%arg11 : memref<128x128xf32, #tpu.memory_space<vmem>>) offsets(%dma_start3A_65 : memref<128xi32, #tpu.memory_space<vmem>>) semaphore(%arg15 : memref<!tpu.dma_semaphore, #tpu.memory_space<semaphore_mem>>)
    %dma_wait3A_69 = arith.constant 256 : i32
    %dma_wait3A_70 = tpu.memref_slice %arg8[%dma_wait3A_69] : memref<512xi32, #tpu.memory_space<vmem>> -> memref<128xi32, #tpu.memory_space<vmem>>
    %dma_wait3A_71 = arith.constant 0 : i32
    %dma_wait3A_72 = arith.constant 0 : i32
    %dma_wait3A_73 = tpu.memref_slice %arg4[%dma_wait3A_71, %dma_wait3A_72] : memref<100000x128xf32, #tpu.memory_space<hbm>> -> memref<100000x128xf32, #tpu.memory_space<hbm>>
    tpu.wait_indirect_dma semaphore(%arg16 : memref<!tpu.dma_semaphore, #tpu.memory_space<semaphore_mem>>) src(%dma_wait3A_73 : memref<100000x128xf32, #tpu.memory_space<hbm>>) dst(%arg12 : memref<128x128xf32, #tpu.memory_space<vmem>>)
    %add3A_74 = arith.constant 256 : i32
    %add3A_75 = arith.addi %mul3A_2, %add3A_74 : i32
    %dma_start3A_76 = arith.constant 0 : i32
    %dma_start3A_77 = tpu.memref_slice %arg6[%add3A_75, %dma_start3A_76] : memref<16384x128xf32, #tpu.memory_space<hbm>> -> memref<128x128xf32, #tpu.memory_space<hbm>>
    %dma_start3A_78 = arith.constant 0 : i32
    %dma_start3A_79 = tpu.memref_slice %arg6[%add3A_75, %dma_start3A_78] : memref<16384x128xf32, #tpu.memory_space<hbm>> -> memref<128x128xf32, #tpu.memory_space<hbm>>
    tpu.enqueue_dma source(%arg12 : memref<128x128xf32, #tpu.memory_space<vmem>>) target(%dma_start3A_79 : memref<128x128xf32, #tpu.memory_space<hbm>>) target_semaphore(%arg20 : memref<!tpu.dma_semaphore, #tpu.memory_space<semaphore_mem>>)
    %dma_wait3A_80 = arith.constant 0 : i32
    %dma_wait3A_81 = tpu.memref_slice %arg6[%add3A_75, %dma_wait3A_80] : memref<16384x128xf32, #tpu.memory_space<hbm>> -> memref<128x128xf32, #tpu.memory_space<hbm>>
    %dma_wait3A_82 = arith.constant 0 : i32
    %dma_wait3A_83 = tpu.memref_slice %arg6[%add3A_75, %dma_wait3A_82] : memref<16384x128xf32, #tpu.memory_space<hbm>> -> memref<128x128xf32, #tpu.memory_space<hbm>>
    tpu.wait_dma2 semaphore(%arg20 : memref<!tpu.dma_semaphore, #tpu.memory_space<semaphore_mem>>) src(%arg12 : memref<128x128xf32, #tpu.memory_space<vmem>>) dst(%dma_wait3A_83 : memref<128x128xf32, #tpu.memory_space<hbm>>)
    %dma_start3A_84 = arith.constant 256 : i32
    %dma_start3A_85 = tpu.memref_slice %arg9[%dma_start3A_84] : memref<512xi32, #tpu.memory_space<vmem>> -> memref<128xi32, #tpu.memory_space<vmem>>
    %dma_start3A_86 = arith.constant 0 : i32
    %dma_start3A_87 = arith.constant 0 : i32
    %dma_start3A_88 = tpu.memref_slice %arg5[%dma_start3A_86, %dma_start3A_87] : memref<100000x128xf32, #tpu.memory_space<hbm>> -> memref<100000x128xf32, #tpu.memory_space<hbm>>
    tpu.enqueue_indirect_dma source(%dma_start3A_88 : memref<100000x128xf32, #tpu.memory_space<hbm>>) target(%arg12 : memref<128x128xf32, #tpu.memory_space<vmem>>) offsets(%dma_start3A_85 : memref<128xi32, #tpu.memory_space<vmem>>) semaphore(%arg16 : memref<!tpu.dma_semaphore, #tpu.memory_space<semaphore_mem>>)
    %dma_wait3A_89 = arith.constant 384 : i32
    %dma_wait3A_90 = tpu.memref_slice %arg8[%dma_wait3A_89] : memref<512xi32, #tpu.memory_space<vmem>> -> memref<128xi32, #tpu.memory_space<vmem>>
    %dma_wait3A_91 = arith.constant 0 : i32
    %dma_wait3A_92 = arith.constant 0 : i32
    %dma_wait3A_93 = tpu.memref_slice %arg4[%dma_wait3A_91, %dma_wait3A_92] : memref<100000x128xf32, #tpu.memory_space<hbm>> -> memref<100000x128xf32, #tpu.memory_space<hbm>>
    tpu.wait_indirect_dma semaphore(%arg17 : memref<!tpu.dma_semaphore, #tpu.memory_space<semaphore_mem>>) src(%dma_wait3A_93 : memref<100000x128xf32, #tpu.memory_space<hbm>>) dst(%arg13 : memref<128x128xf32, #tpu.memory_space<vmem>>)
    %add3A_94 = arith.constant 384 : i32
    %add3A_95 = arith.addi %mul3A_2, %add3A_94 : i32
    %dma_start3A_96 = arith.constant 0 : i32
    %dma_start3A_97 = tpu.memref_slice %arg6[%add3A_95, %dma_start3A_96] : memref<16384x128xf32, #tpu.memory_space<hbm>> -> memref<128x128xf32, #tpu.memory_space<hbm>>
    %dma_start3A_98 = arith.constant 0 : i32
    %dma_start3A_99 = tpu.memref_slice %arg6[%add3A_95, %dma_start3A_98] : memref<16384x128xf32, #tpu.memory_space<hbm>> -> memref<128x128xf32, #tpu.memory_space<hbm>>
    tpu.enqueue_dma source(%arg13 : memref<128x128xf32, #tpu.memory_space<vmem>>) target(%dma_start3A_99 : memref<128x128xf32, #tpu.memory_space<hbm>>) target_semaphore(%arg21 : memref<!tpu.dma_semaphore, #tpu.memory_space<semaphore_mem>>)
    %dma_wait3A_100 = arith.constant 0 : i32
    %dma_wait3A_101 = tpu.memref_slice %arg6[%add3A_95, %dma_wait3A_100] : memref<16384x128xf32, #tpu.memory_space<hbm>> -> memref<128x128xf32, #tpu.memory_space<hbm>>
    %dma_wait3A_102 = arith.constant 0 : i32
    %dma_wait3A_103 = tpu.memref_slice %arg6[%add3A_95, %dma_wait3A_102] : memref<16384x128xf32, #tpu.memory_space<hbm>> -> memref<128x128xf32, #tpu.memory_space<hbm>>
    tpu.wait_dma2 semaphore(%arg21 : memref<!tpu.dma_semaphore, #tpu.memory_space<semaphore_mem>>) src(%arg13 : memref<128x128xf32, #tpu.memory_space<vmem>>) dst(%dma_wait3A_103 : memref<128x128xf32, #tpu.memory_space<hbm>>)
    %dma_start3A_104 = arith.constant 384 : i32
    %dma_start3A_105 = tpu.memref_slice %arg9[%dma_start3A_104] : memref<512xi32, #tpu.memory_space<vmem>> -> memref<128xi32, #tpu.memory_space<vmem>>
    %dma_start3A_106 = arith.constant 0 : i32
    %dma_start3A_107 = arith.constant 0 : i32
    %dma_start3A_108 = tpu.memref_slice %arg5[%dma_start3A_106, %dma_start3A_107] : memref<100000x128xf32, #tpu.memory_space<hbm>> -> memref<100000x128xf32, #tpu.memory_space<hbm>>
    tpu.enqueue_indirect_dma source(%dma_start3A_108 : memref<100000x128xf32, #tpu.memory_space<hbm>>) target(%arg13 : memref<128x128xf32, #tpu.memory_space<vmem>>) offsets(%dma_start3A_105 : memref<128xi32, #tpu.memory_space<vmem>>) semaphore(%arg17 : memref<!tpu.dma_semaphore, #tpu.memory_space<semaphore_mem>>)
    %dma_wait3A_109 = arith.constant 0 : i32
    %dma_wait3A_110 = tpu.memref_slice %arg9[%dma_wait3A_109] : memref<512xi32, #tpu.memory_space<vmem>> -> memref<128xi32, #tpu.memory_space<vmem>>
    %dma_wait3A_111 = arith.constant 0 : i32
    %dma_wait3A_112 = arith.constant 0 : i32
    %dma_wait3A_113 = tpu.memref_slice %arg5[%dma_wait3A_111, %dma_wait3A_112] : memref<100000x128xf32, #tpu.memory_space<hbm>> -> memref<100000x128xf32, #tpu.memory_space<hbm>>
    tpu.wait_indirect_dma semaphore(%arg14 : memref<!tpu.dma_semaphore, #tpu.memory_space<semaphore_mem>>) src(%dma_wait3A_113 : memref<100000x128xf32, #tpu.memory_space<hbm>>) dst(%arg10 : memref<128x128xf32, #tpu.memory_space<vmem>>)
    %add3A_114 = arith.constant 0 : i32
    %add3A_115 = arith.addi %mul3A_2, %add3A_114 : i32
    %dma_start3A_116 = arith.constant 0 : i32
    %dma_start3A_117 = tpu.memref_slice %arg7[%add3A_115, %dma_start3A_116] : memref<16384x128xf32, #tpu.memory_space<hbm>> -> memref<128x128xf32, #tpu.memory_space<hbm>>
    %dma_start3A_118 = arith.constant 0 : i32
    %dma_start3A_119 = tpu.memref_slice %arg7[%add3A_115, %dma_start3A_118] : memref<16384x128xf32, #tpu.memory_space<hbm>> -> memref<128x128xf32, #tpu.memory_space<hbm>>
    tpu.enqueue_dma source(%arg10 : memref<128x128xf32, #tpu.memory_space<vmem>>) target(%dma_start3A_119 : memref<128x128xf32, #tpu.memory_space<hbm>>) target_semaphore(%arg18 : memref<!tpu.dma_semaphore, #tpu.memory_space<semaphore_mem>>)
    %dma_wait3A_120 = arith.constant 128 : i32
    %dma_wait3A_121 = tpu.memref_slice %arg9[%dma_wait3A_120] : memref<512xi32, #tpu.memory_space<vmem>> -> memref<128xi32, #tpu.memory_space<vmem>>
    %dma_wait3A_122 = arith.constant 0 : i32
    %dma_wait3A_123 = arith.constant 0 : i32
    %dma_wait3A_124 = tpu.memref_slice %arg5[%dma_wait3A_122, %dma_wait3A_123] : memref<100000x128xf32, #tpu.memory_space<hbm>> -> memref<100000x128xf32, #tpu.memory_space<hbm>>
    tpu.wait_indirect_dma semaphore(%arg15 : memref<!tpu.dma_semaphore, #tpu.memory_space<semaphore_mem>>) src(%dma_wait3A_124 : memref<100000x128xf32, #tpu.memory_space<hbm>>) dst(%arg11 : memref<128x128xf32, #tpu.memory_space<vmem>>)
    %add3A_125 = arith.constant 128 : i32
    %add3A_126 = arith.addi %mul3A_2, %add3A_125 : i32
    %dma_start3A_127 = arith.constant 0 : i32
    %dma_start3A_128 = tpu.memref_slice %arg7[%add3A_126, %dma_start3A_127] : memref<16384x128xf32, #tpu.memory_space<hbm>> -> memref<128x128xf32, #tpu.memory_space<hbm>>
    %dma_start3A_129 = arith.constant 0 : i32
    %dma_start3A_130 = tpu.memref_slice %arg7[%add3A_126, %dma_start3A_129] : memref<16384x128xf32, #tpu.memory_space<hbm>> -> memref<128x128xf32, #tpu.memory_space<hbm>>
    tpu.enqueue_dma source(%arg11 : memref<128x128xf32, #tpu.memory_space<vmem>>) target(%dma_start3A_130 : memref<128x128xf32, #tpu.memory_space<hbm>>) target_semaphore(%arg19 : memref<!tpu.dma_semaphore, #tpu.memory_space<semaphore_mem>>)
    %dma_wait3A_131 = arith.constant 256 : i32
    %dma_wait3A_132 = tpu.memref_slice %arg9[%dma_wait3A_131] : memref<512xi32, #tpu.memory_space<vmem>> -> memref<128xi32, #tpu.memory_space<vmem>>
    %dma_wait3A_133 = arith.constant 0 : i32
    %dma_wait3A_134 = arith.constant 0 : i32
    %dma_wait3A_135 = tpu.memref_slice %arg5[%dma_wait3A_133, %dma_wait3A_134] : memref<100000x128xf32, #tpu.memory_space<hbm>> -> memref<100000x128xf32, #tpu.memory_space<hbm>>
    tpu.wait_indirect_dma semaphore(%arg16 : memref<!tpu.dma_semaphore, #tpu.memory_space<semaphore_mem>>) src(%dma_wait3A_135 : memref<100000x128xf32, #tpu.memory_space<hbm>>) dst(%arg12 : memref<128x128xf32, #tpu.memory_space<vmem>>)
    %add3A_136 = arith.constant 256 : i32
    %add3A_137 = arith.addi %mul3A_2, %add3A_136 : i32
    %dma_start3A_138 = arith.constant 0 : i32
    %dma_start3A_139 = tpu.memref_slice %arg7[%add3A_137, %dma_start3A_138] : memref<16384x128xf32, #tpu.memory_space<hbm>> -> memref<128x128xf32, #tpu.memory_space<hbm>>
    %dma_start3A_140 = arith.constant 0 : i32
    %dma_start3A_141 = tpu.memref_slice %arg7[%add3A_137, %dma_start3A_140] : memref<16384x128xf32, #tpu.memory_space<hbm>> -> memref<128x128xf32, #tpu.memory_space<hbm>>
    tpu.enqueue_dma source(%arg12 : memref<128x128xf32, #tpu.memory_space<vmem>>) target(%dma_start3A_141 : memref<128x128xf32, #tpu.memory_space<hbm>>) target_semaphore(%arg20 : memref<!tpu.dma_semaphore, #tpu.memory_space<semaphore_mem>>)
    %dma_wait3A_142 = arith.constant 384 : i32
    %dma_wait3A_143 = tpu.memref_slice %arg9[%dma_wait3A_142] : memref<512xi32, #tpu.memory_space<vmem>> -> memref<128xi32, #tpu.memory_space<vmem>>
    %dma_wait3A_144 = arith.constant 0 : i32
    %dma_wait3A_145 = arith.constant 0 : i32
    %dma_wait3A_146 = tpu.memref_slice %arg5[%dma_wait3A_144, %dma_wait3A_145] : memref<100000x128xf32, #tpu.memory_space<hbm>> -> memref<100000x128xf32, #tpu.memory_space<hbm>>
    tpu.wait_indirect_dma semaphore(%arg17 : memref<!tpu.dma_semaphore, #tpu.memory_space<semaphore_mem>>) src(%dma_wait3A_146 : memref<100000x128xf32, #tpu.memory_space<hbm>>) dst(%arg13 : memref<128x128xf32, #tpu.memory_space<vmem>>)
    %add3A_147 = arith.constant 384 : i32
    %add3A_148 = arith.addi %mul3A_2, %add3A_147 : i32
    %dma_start3A_149 = arith.constant 0 : i32
    %dma_start3A_150 = tpu.memref_slice %arg7[%add3A_148, %dma_start3A_149] : memref<16384x128xf32, #tpu.memory_space<hbm>> -> memref<128x128xf32, #tpu.memory_space<hbm>>
    %dma_start3A_151 = arith.constant 0 : i32
    %dma_start3A_152 = tpu.memref_slice %arg7[%add3A_148, %dma_start3A_151] : memref<16384x128xf32, #tpu.memory_space<hbm>> -> memref<128x128xf32, #tpu.memory_space<hbm>>
    tpu.enqueue_dma source(%arg13 : memref<128x128xf32, #tpu.memory_space<vmem>>) target(%dma_start3A_152 : memref<128x128xf32, #tpu.memory_space<hbm>>) target_semaphore(%arg21 : memref<!tpu.dma_semaphore, #tpu.memory_space<semaphore_mem>>)
    %dma_wait3A_153 = arith.constant 0 : i32
    %dma_wait3A_154 = tpu.memref_slice %arg7[%add3A_115, %dma_wait3A_153] : memref<16384x128xf32, #tpu.memory_space<hbm>> -> memref<128x128xf32, #tpu.memory_space<hbm>>
    %dma_wait3A_155 = arith.constant 0 : i32
    %dma_wait3A_156 = tpu.memref_slice %arg7[%add3A_115, %dma_wait3A_155] : memref<16384x128xf32, #tpu.memory_space<hbm>> -> memref<128x128xf32, #tpu.memory_space<hbm>>
    tpu.wait_dma2 semaphore(%arg18 : memref<!tpu.dma_semaphore, #tpu.memory_space<semaphore_mem>>) src(%arg10 : memref<128x128xf32, #tpu.memory_space<vmem>>) dst(%dma_wait3A_156 : memref<128x128xf32, #tpu.memory_space<hbm>>)
    %dma_wait3A_157 = arith.constant 0 : i32
    %dma_wait3A_158 = tpu.memref_slice %arg7[%add3A_126, %dma_wait3A_157] : memref<16384x128xf32, #tpu.memory_space<hbm>> -> memref<128x128xf32, #tpu.memory_space<hbm>>
    %dma_wait3A_159 = arith.constant 0 : i32
    %dma_wait3A_160 = tpu.memref_slice %arg7[%add3A_126, %dma_wait3A_159] : memref<16384x128xf32, #tpu.memory_space<hbm>> -> memref<128x128xf32, #tpu.memory_space<hbm>>
    tpu.wait_dma2 semaphore(%arg19 : memref<!tpu.dma_semaphore, #tpu.memory_space<semaphore_mem>>) src(%arg11 : memref<128x128xf32, #tpu.memory_space<vmem>>) dst(%dma_wait3A_160 : memref<128x128xf32, #tpu.memory_space<hbm>>)
    %dma_wait3A_161 = arith.constant 0 : i32
    %dma_wait3A_162 = tpu.memref_slice %arg7[%add3A_137, %dma_wait3A_161] : memref<16384x128xf32, #tpu.memory_space<hbm>> -> memref<128x128xf32, #tpu.memory_space<hbm>>
    %dma_wait3A_163 = arith.constant 0 : i32
    %dma_wait3A_164 = tpu.memref_slice %arg7[%add3A_137, %dma_wait3A_163] : memref<16384x128xf32, #tpu.memory_space<hbm>> -> memref<128x128xf32, #tpu.memory_space<hbm>>
    tpu.wait_dma2 semaphore(%arg20 : memref<!tpu.dma_semaphore, #tpu.memory_space<semaphore_mem>>) src(%arg12 : memref<128x128xf32, #tpu.memory_space<vmem>>) dst(%dma_wait3A_164 : memref<128x128xf32, #tpu.memory_space<hbm>>)
    %dma_wait3A_165 = arith.constant 0 : i32
    %dma_wait3A_166 = tpu.memref_slice %arg7[%add3A_148, %dma_wait3A_165] : memref<16384x128xf32, #tpu.memory_space<hbm>> -> memref<128x128xf32, #tpu.memory_space<hbm>>
    %dma_wait3A_167 = arith.constant 0 : i32
    %dma_wait3A_168 = tpu.memref_slice %arg7[%add3A_148, %dma_wait3A_167] : memref<16384x128xf32, #tpu.memory_space<hbm>> -> memref<128x128xf32, #tpu.memory_space<hbm>>
    tpu.wait_dma2 semaphore(%arg21 : memref<!tpu.dma_semaphore, #tpu.memory_space<semaphore_mem>>) src(%arg13 : memref<128x128xf32, #tpu.memory_space<vmem>>) dst(%dma_wait3A_168 : memref<128x128xf32, #tpu.memory_space<hbm>>)
    return
  }
}

</mosaic_0001>

<sc_bundles>
// kernel: kernel.3.cloned.1.call-start
scs
__scs_entry_jumppad:
0x0: {  	(pc) =	sbr.rel $0x88, $3  }
0x1: {  	(tag) =	ssettag $0x0;
	lr =	simm.s32 $0x1  }
0x2: {  	[smem:$0x3F9D] =	sst lr;
	_ =	strace $0xD0000000  }
0x3: {  	_ = 	snop  }
0x4: {  	_ = 	snop  }
0x5: {  	_ = 	snop  }
0x6: {  	_ = 	snop  }
0x7: {  	_ = 	snop  }
__scs_overlays_trampoline_lowered:
0x8: {  	[smem:$0x3FAC] =	sst s0  }
0x9: {  	[smem:$0x3FAD] =	sst s1  }
0xa: {  	[smem:$0x3FAE] =	sst s2  }
0xb: {  	[smem:$0x3FAF] =	sst s3  }
0xc: {  	[smem:$0x3FB0] =	sst s4  }
0xd: {  	[smem:$0x3FB1] =	sst s5  }
0xe: {  	[smem:$0x3FB2] =	sst s6  }
0xf: {  	[smem:$0x3FB3] =	sst s7  }
0x10: {  	[smem:$0x3FB4] =	sst s8  }
0x11: {  	[smem:$0x3FB5] =	sst s9;
	s0 =	simm.s32 @!p0 $0x0  }
0x12: {  	s1 =	sld [smem:$0x3F9B];
	s0 =	simm.s32 @p0 $0x1  }
0x13: {  	[smem:$0x3FB6] =	sst s0;
	s0 =	simm.s32 @!p1 $0x0  }
0x14: {  	s2 =	sld [smem:$0x3F9A];
	s0 =	simm.s32 @p1 $0x1  }
0x15: {  	[smem:$0x3FB7] =	sst s0;
	s0 =	simm.s32 @!p2 $0x0  }
0x16: {  	s3 =	sld [smem:$0x3FDB];
	s0 =	simm.s32 @p2 $0x1  }
0x17: {  	s4 =	simm.s32 $0x1BF5;
	[smem:$0x3FB9] =	sst s0  }
0x18: {  	s0 =	sld [smem:$0x3F9C];
	_ =	swait.ge [sflag:s4], $0x0  }
0x19: {  	s7 =	sld [smem:$0x3F9D]  }
0x1a: {  	s8 =	sadd.s32 $0xFFFFE003, lr  }
0x1b: {  	s9 =	sadd.s32 $0xFFFFFEF7, lr;
	s5 =	simm.s32 $0xFFFFFFFF;
	p2 =	slt.u32 s8, $0xFFFFF086  }
0x1c: {  	p1 =	slt.u32 s9, $0xF7A;
	s5 =	simm.s32 @!p2 $0x0  }
0x1d: {  	s5 =	simm.s32 @p1 $0x1;
	p0 =	seq.s32 s7, s2  }
0x1e: {  	s7 =	smul.u32 @!p0 $0xF7A, s2;
	p2 =	seq.s32 @!p0 s5, $0x0  }
0x1f: {  	s9 =	smul.u32 $0xF7A, s1;
	s8 =	simm.s32 @!p0 $0x1BF5;
	p2 =	por !p2, p0  }
0x20: {  	[sflag:s8] =	ssyncset.s32 @!p0 $0xFFFFF086;
	s6 =	sadd.s32 @!p0 s3, s7;
	s7 =	simm.s32 @!p0 $0x108  }
0x21: {  	s3 =	sadd.s32 s3, s9;
	s6 =	sadd.s32 @!p0 $0x88, s6;
	s7 =	simm.s32 @p2 $0x1082  }
0x22: {  	[simem:s7], [sflag:s8] =	dma.local @!p0 [hbm:s6], $0xF7A  }
0x23: {  	s9 =	sor.u32 $0xD0000000, s2;
	s6 =	simm.s32 $0x108;
	_ =	swait.ge @!p0 [sflag:s8], $0x0  }
0x24: {  	s3 =	sadd.s32 $0x88, s3;
	s6 =	simm.s32 @!p1 $0x1082;
	[sflag:s4] =	ssyncset.s32 $0xFFFFF086  }
0x25: {  	[simem:s6], [sflag:s4] =	dma.local [hbm:s3], $0xF7A  }
0x26: {  	[smem:$0x3F9D] =	sst s1;
	(tag) =	ssettag s2;
	_ =	strace s9  }
0x27: {  	s1 =	sld [smem:$0x3FAD]  }
0x28: {  	s2 =	sld [smem:$0x3FAE]  }
0x29: {  	s4 =	sld [smem:$0x3FB0]  }
0x2a: {  	p0 =	seq.s32 s5, $0x0;
	s5 =	sld [smem:$0x3FB1]  }
0x2b: {  	s6 =	sld [smem:$0x3FB2]  }
0x2c: {  	s7 =	sld [smem:$0x3FB3]  }
0x2d: {  	s3 =	simm.s32 $0x108;
	s8 =	sld [smem:$0x3FB4]  }
0x2e: {  	s3 =	simm.s32 @!p0 $0x1082;
	s9 =	sld [smem:$0x3FB5]  }
0x2f: {  	lr =	sadd.s32 s0, s3;
	s0 =	sld [smem:$0x3FAC]  }
0x30: {  	s3 =	sld [smem:$0x3FAF]  }
0x31: {  	[smem:$0x3FB8] =	sst s10  }
0x32: {  	s10 =	sld [smem:$0x3FB6];
	_ =	sdelay $0x3  }
0x33: {  	p0 =	seq.s32 s10, $0x1;
	s10 =	sld [smem:$0x3FB8];
	_ =	sdelay $0x3  }
0x34: {  	[smem:$0x3FB8] =	sst s10  }
0x35: {  	s10 =	sld [smem:$0x3FB7];
	_ =	sdelay $0x3  }
0x36: {  	p1 =	seq.s32 s10, $0x1;
	s10 =	sld [smem:$0x3FB8];
	_ =	sdelay $0x3  }
0x37: {  	[smem:$0x3FB8] =	sst s10  }
0x38: {  	s10 =	sld [smem:$0x3FB9]  }
0x39: {  	_ = 	snop;
	(pc) =	sbr.ind lr, $3  }
0x3a: {  	_ = 	snop  }
0x3b: {  	_ = 	snop  }
0x3c: {  	p2 =	seq.s32 s10, $0x1;
	s10 =	sld [smem:$0x3FB8]  }
0x3d: {  	_ =	shalt  }
0x3e: {  	_ =	shalt  }
0x3f: {  	_ =	shalt  }
0x40: {  	_ =	shalt  }
0x41: {  	_ =	shalt  }
0x42: {  	_ =	shalt  }
0x43: {  	_ =	shalt  }
0x44: {  	_ =	shalt  }
0x45: {  	_ =	shalt  }
0x46: {  	_ =	shalt  }
0x47: {  	_ =	shalt  }
0x48: {  	_ =	shalt  }
0x49: {  	_ =	shalt  }
0x4a: {  	_ =	shalt  }
0x4b: {  	_ =	shalt  }
0x4c: {  	_ =	shalt  }
0x4d: {  	_ =	shalt  }
0x4e: {  	_ =	shalt  }
0x4f: {  	_ =	shalt  }
0x50: {  	_ =	shalt  }
0x51: {  	_ =	shalt  }
0x52: {  	_ =	shalt  }
0x53: {  	_ =	shalt  }
0x54: {  	_ =	shalt  }
0x55: {  	_ =	shalt  }
0x56: {  	_ =	shalt  }
0x57: {  	_ =	shalt  }
0x58: {  	_ =	shalt  }
0x59: {  	_ =	shalt  }
0x5a: {  	_ =	shalt  }
0x5b: {  	_ =	shalt  }
0x5c: {  	_ =	shalt  }
0x5d: {  	_ =	shalt  }
0x5e: {  	_ =	shalt  }
0x5f: {  	_ =	shalt  }
0x60: {  	_ =	shalt  }
0x61: {  	_ =	shalt  }
0x62: {  	_ =	shalt  }
0x63: {  	_ =	shalt  }
0x64: {  	_ =	shalt  }
0x65: {  	_ =	shalt  }
0x66: {  	_ =	shalt  }
0x67: {  	_ =	shalt  }
0x68: {  	_ =	shalt  }
0x69: {  	_ =	shalt  }
0x6a: {  	_ =	shalt  }
0x6b: {  	_ =	shalt  }
0x6c: {  	_ =	shalt  }
0x6d: {  	_ =	shalt  }
0x6e: {  	_ =	shalt  }
0x6f: {  	_ =	shalt  }
0x70: {  	_ =	shalt  }
0x71: {  	_ =	shalt  }
0x72: {  	_ =	shalt  }
0x73: {  	_ =	shalt  }
0x74: {  	_ =	shalt  }
0x75: {  	_ =	shalt  }
0x76: {  	_ =	shalt  }
0x77: {  	_ =	shalt  }
0x78: {  	_ =	shalt  }
0x79: {  	_ =	shalt  }
0x7a: {  	_ =	shalt  }
0x7b: {  	_ =	shalt  }
0x7c: {  	_ =	shalt  }
0x7d: {  	_ =	shalt  }
0x7e: {  	_ =	shalt  }
0x7f: {  	_ =	shalt  }
0x80: {  	_ =	shalt  }
0x81: {  	_ =	shalt  }
0x82: {  	_ =	shalt  }
0x83: {  	_ =	shalt  }
0x84: {  	_ =	shalt  }
0x85: {  	_ =	shalt  }
0x86: {  	_ =	shalt  }
0x87: {  	_ =	shalt  }
.Lfunc_end0:
.L_simem_size_0:
called_computation_lowered:
.L_overlay_start_0:
0x88: {  	s2 =	sld [smem:$0x3FD9]  }
0x89: {  	s3 =	sld [smem:$0x3FFE];
	_ =	sdelay $0x1  }
0x8a: {  	s1 =	srdreg.scid  }
0x8b: {  	s0 =	sand.u32 $0x1, s1  }
0x8c: {  	s15 =	sshll.u32 s0, $0xA;
	s2 =	sadd.s32 s3, s2  }
0x8d: {  	s2 =	sadd.s32 s2, s15  }
0x8e: {  	[smem:$0x3FC4] =	sst s2  }
0x8f: {  	_ = 	snop  }
0x90: {  	s2 =	sld [smem:$0x3FC9]  }
0x91: {  	s16 =	sld [smem:$0x3FD0]  }
0x92: {  	s4 =	sld [smem:$0x3FC8]  }
0x93: {  	s5 =	sld [smem:$0x3FC7]  }
0x94: {  	s7 =	simm.s32 $0xA;
	s8 =	simm.s32 $0x10;
	s6 =	sld [smem:$0x3FC6]  }
0x95: {  	[smem:s8], [sflag:s7] =	dma.local [hbm:s16], $0x1  }
0x96: {  	_ =	swait.eq [sflag:s7], $0x1  }
0x97: {  	[sflag:s7] =	ssyncset.done $0x0  }
0x98: {  	s17 =	sld [smem:$0x10];
	[sflag:s7] =	ssyncadd.s32 $0xFFFFFFFF  }
0x99: {  	s18 =	sld [smem:$0x11];
	(tm) =	ssettm $0x1  }
0x9a: {  	s19 =	sld [smem:$0x3FFB];
	_ =	sdelay $0x3  }
0x9b: {  	_ =	strace s19  }
0x9c: {  	s8 =	sld [smem:$0x3FFC];
	_ =	sdelay $0x3  }
0x9d: {  	_ =	strace s8  }
0x9e: {  	s8 =	sld [smem:$0x3FFD];
	_ =	sdelay $0x3  }
0x9f: {  	_ =	strace s8  }
0xa0: {  	_ =	strace $0x8FFFFFFF  }
0xa1: {  	s20 =	sld [smem:$0x3FDB];
	_ =	sdelay $0x1  }
0xa2: {  	s9 =	simm.s32 $_scs_section_size  }
0xa3: {  	s10 =	simm.s32 $_size__tile_overlayer_lowered;
	s11 =	simm.s32 $_tile_overlayer_lowered  }
0xa4: {  	s23 =	simm.s32 $0x1BFF;
	s22 =	sshll.u32 s11, $0x1;
	s8 =	sadd.s32 s9, s20  }
0xa5: {  	s12 =	simm.s32 $0x0;
	s21 =	sshll.u32 s10, $0x1;
	s10 =	sadd.s32 s22, s8  }
0xa6: {  	[timem:s12], [sflag:s23] =	dma.local [hbm:s10], s21  }
0xa7: {  	_ =	swait.ge [sflag:s23], s21  }
0xa8: {  	s9 =	ssub.s32 $0x0, s21;
	[sflag:s23] =	ssyncset.done $0x0  }
0xa9: {  	[sflag:s23] =	ssyncadd.s32 s9;
	_ =	sdelay $0x1  }
0xaa: {  	s24 =	simm.s32 $0x1B8B  }
0xab: {  	_ =	swait.ge [sflag:s24], $0x1  }
0xac: {  	[sflag:s24] =	ssyncset.done $0x0  }
0xad: {  	s25 =	simm.s32 $0x1B8E;
	[sflag:s24] =	ssyncadd.s32 $0xFFFFFFFF  }
0xae: {  	s26 =	simm.s32 $execute0_lowered;
	[smem:$0x3FD2] =	sst s25  }
0xaf: {  	s9 =	sshll.u32 s26, $0x1;
	_ =	strace $0x80000046;
	[dreg:$0x1] =	wrdreg $0xFFFFFFFF  }
0xb0: {  	s28 =	simm.s32 $_size_execute0_lowered;
	s8 =	sadd.s32 s8, s9;
	[dreg:$0x0] =	wrdreg $0x0  }
0xb1: {  	s9 =	sshll.u32 s28, $0x1;
	[dreg:$0x2] =	wrdreg s8  }
0xb2: {  	[dreg:$0x3] =	wrdreg s9  }
0xb3: {  	[dreg:$0x4] =	wrdreg $0xC0  }
0xb4: {  	_ =	task [dreg:s12], $0x5FFFF  }
0xb5: {  	[dreg:$0x1] =	wrdreg $0xFFFFFFFF  }
0xb6: {  	[dreg:$0x0] =	wrdreg $0x60  }
0xb7: {  	[dreg:$0x2] =	wrdreg s2  }
0xb8: {  	[dreg:$0x3] =	wrdreg s4  }
0xb9: {  	[dreg:$0x4] =	wrdreg s5  }
0xba: {  	[dreg:$0x5] =	wrdreg s6  }
0xbb: {  	[dreg:$0x6] =	wrdreg s17  }
0xbc: {  	[dreg:$0x7] =	wrdreg s18  }
0xbd: {  	[dreg:$0x8] =	wrdreg $0x9  }
0xbe: {  	_ =	task.clear_ibuf [dreg:s12], $0x9FFFF;
	_ =	strace $0x90000046  }
0xbf: {  	s29 =	simm.s32 $0x9;
	_ =	strace $0x80000048  }
0xc0: {  	_ =	swait.ge [sflag:s29], $0x1  }
0xc1: {  	[sflag:s29] =	ssyncadd.s32 $0xFFFFFFFF  }
0xc2: {  	_ =	strace $0x90000048  }
0xc3: {  	_ =	sfence  }
0xc4: {  	s30 =	sld [smem:$0x0];
	_ =	sdelay $0x2  }
0xc5: {  	s31 =	sshll.u32 s1, $0xD;
	s1 =	sshrl.u32 s1, $0x2  }
0xc6: {  	s3 =	sand.u32 $0x4000, s31;
	s1 =	sadd.s32 s1, s30  }
0xc7: {  	s0 =	sor.u32 s3, s0;
	s1 =	sshll.u32 s1, $0x11  }
0xc8: {  	s0 =	sor.u32 s1, s0  }
0xc9: {  	s0 =	sadd.s32 $0x8F2B, s0  }
0xca: {  	[sflag:s0] =	ssyncadd.remote.s32 $0x1  }
0xcb: {  	_ =	sfence.sel $0xFFFF  }
0xcc: {  	[dreg:$0x0] =	wrdreg $0xFFFFFFFF;
	(pc) =	sbr.abs _section_cstart, $3  }
0xcd: {  	[dreg:$0x1] =	wrdreg $0xFFFFFFFF  }
0xce: {  	_ =	task.clear_ibuf [dreg:s12], $0x2FFFF;
	_ =	strace $0x9FFFFFFF  }
0xcf: {  	(tm) =	ssettm $0x7FFFFFFF  }
tec
execute0_lowered:
.L_overlay_start_1:
0x0: {  	(tag) =	ssettag $0x1  }
0x1: {  	s5 =	rddreg [dreg:$0x0]  }
0x2: {  	s6 =	rddreg [dreg:$0x1];
	s2 =	srdreg.scid  }
0x3: {  	s1 =	rddreg [dreg:$0x2];
	s0 =	stileid.u32;
	s2 =	sand.u32 $0x1, s2  }
0x4: {  	s3 =	rddreg [dreg:$0x3];
	s7 =	sshll.u32 s0, $0xA;
	s8 =	sshll.u32 s2, $0x9  }
0x5: {  	s24 =	rddreg [dreg:$0x4];
	s4 =	simm.s32 $0x0;
	s7 =	sor.u32 s8, s7  }
0x6: {  	[smem:$0x7FF] =	sst s4;
	s8 =	sshrl.u32 s7, $0x3  }
0x7: {  	s31 =	rddreg [dreg:$0x5];
	_ =	strace $0x80000047;
	s5 =	sadd.s32 s5, s8  }
0x8: {  	s28 =	sshll.u32 s7, $0x4;
	s20 =	sadd.s32 s6, s8;
	[dreg:$0x7] =	wrdreg s5  }
0x9: {  	s21 =	sadd.s32 s24, s28;
	[dreg:$0x8] =	wrdreg s20  }
0xa: {  	[dreg:$0x9] =	wrdreg s21  }
0xb: {  	s29 =	sor.u32 $0x800, s28;
	s22 =	rddreg [dreg:$0x7]  }
0xc: {  	s23 =	sadd.s32 s24, s29;
	s25 =	rddreg [dreg:$0x8]  }
0xd: {  	[tilespmem:s4], [sflag:$0x9] =	stream.linear.gather [hbm4b:s22+s4], $0x200, $0x38;
	[tilespmem:$0x10400] =	vst v63  }
0xe: {  	s6 =	simm.s32 $0x9;
	s5 =	simm.s32 $0x200;
	[dreg:$0xa] =	wrdreg s23  }
0xf: {  	[tilespmem:s5], [sflag:$0x9] =	stream.linear.gather [hbm4b:s25+s4], $0x200, $0x38;
	[tilespmem:$0x10400] =	vst v63  }
0x10: {  	_ =	swait.ge [sflag:s6], $0x200  }
0x11: {  	[sflag:s6] =	ssyncset.done $0x0  }
0x12: {  	[sflag:s6] =	ssyncadd.s32 $0xFFFFFE00  }
0x13: {  	_ =	swait.ge [sflag:s6], $0x200  }
0x14: {  	[sflag:s6] =	ssyncset.done $0x0  }
0x15: {  	s7 =	simm.s32 $0x80;
	s8 =	simm.s32 $0x400;
	[sflag:s6] =	ssyncadd.s32 $0xFFFFFE00  }
0x16: {  	[tilespmem:s8], [sflag:$0x1] =	stream.indirect.gather [hbm4b:s1+s7], $0x80, s4, s7, $0xb8;
	[tilespmem:$0x10400] =	vst v63  }
0x17: {  	s9 =	simm.s32 $0x4400  }
0x18: {  	[tilespmem:s9], [sflag:$0x2] =	stream.indirect.gather [hbm4b:s1+s7], $0x80, s7, s7, $0xb8;
	[tilespmem:$0x10400] =	vst v63  }
0x19: {  	s26 =	simm.s32 $0x100;
	s11 =	simm.s32 $0x8400  }
0x1a: {  	[tilespmem:s11], [sflag:$0x3] =	stream.indirect.gather [hbm4b:s1+s7], $0x80, s26, s7, $0xb8;
	[tilespmem:$0x10400] =	vst v63  }
0x1b: {  	s12 =	simm.s32 $0x180;
	s13 =	simm.s32 $0xC400;
	s14 =	simm.s32 $0x1  }
0x1c: {  	[tilespmem:s13], [sflag:$0x4] =	stream.indirect.gather [hbm4b:s1+s7], $0x80, s12, s7, $0xb8;
	[tilespmem:$0x10400] =	vst v63  }
0x1d: {  	_ =	swait.ge [sflag:s14], $0x4000  }
0x1e: {  	[sflag:s14] =	ssyncset.done $0x0  }
0x1f: {  	s15 =	simm.s32 $0x5;
	s16 =	rddreg [dreg:$0x9];
	[sflag:s14] =	ssyncadd.s32 $0xFFFFC000  }
0x20: {  	[hbm4b:s16+s4] =	stream.linear.scatter [tilespmem:s8], [sflag:$0x5], $0x4000, $0x38;
	[tilespmem:$0x10400] =	vst v63  }
0x21: {  	_ =	swait.ge [sflag:s15], $0x4000  }
0x22: {  	[sflag:s15] =	ssyncset.done $0x0  }
0x23: {  	s16 =	simm.s32 $0x2;
	[sflag:s15] =	ssyncadd.s32 $0xFFFFC000  }
0x24: {  	[tilespmem:s8], [sflag:$0x1] =	stream.indirect.gather [hbm4b:s3+s7], $0x80, s5, s7, $0xb8;
	[tilespmem:$0x10400] =	vst v63  }
0x25: {  	_ =	swait.ge [sflag:s16], $0x4000  }
0x26: {  	[sflag:s16] =	ssyncset.done $0x0  }
0x27: {  	s17 =	simm.s32 $0x6;
	s18 =	rddreg [dreg:$0xa];
	[sflag:s16] =	ssyncadd.s32 $0xFFFFC000  }
0x28: {  	[hbm4b:s18+s4] =	stream.linear.scatter [tilespmem:s9], [sflag:$0x6], $0x4000, $0x38;
	[tilespmem:$0x10400] =	vst v63  }
0x29: {  	_ =	swait.ge [sflag:s17], $0x4000  }
0x2a: {  	[sflag:s17] =	ssyncset.done $0x0  }
0x2b: {  	s19 =	simm.s32 $0x3;
	s18 =	simm.s32 $0x280;
	[sflag:s17] =	ssyncadd.s32 $0xFFFFC000  }
0x2c: {  	[tilespmem:s9], [sflag:$0x2] =	stream.indirect.gather [hbm4b:s3+s7], $0x80, s18, s7, $0xb8;
	[tilespmem:$0x10400] =	vst v63  }
0x2d: {  	_ =	swait.ge [sflag:s19], $0x4000  }
0x2e: {  	s30 =	sor.u32 $0x1000, s28;
	[sflag:s19] =	ssyncset.done $0x0  }
0x2f: {  	s20 =	sadd.s32 s24, s30;
	s21 =	simm.s32 $0x7;
	[sflag:s19] =	ssyncadd.s32 $0xFFFFC000  }
0x30: {  	[hbm4b:s20+s4] =	stream.linear.scatter [tilespmem:s11], [sflag:$0x7], $0x4000, $0x38;
	[tilespmem:$0x10400] =	vst v63  }
0x31: {  	_ =	swait.ge [sflag:s21], $0x4000  }
0x32: {  	[sflag:s21] =	ssyncset.done $0x0  }
0x33: {  	s23 =	simm.s32 $0x4;
	s22 =	simm.s32 $0x300;
	[sflag:s21] =	ssyncadd.s32 $0xFFFFC000  }
0x34: {  	[tilespmem:s11], [sflag:$0x3] =	stream.indirect.gather [hbm4b:s3+s7], $0x80, s22, s7, $0xb8;
	[tilespmem:$0x10400] =	vst v63  }
0x35: {  	_ =	swait.ge [sflag:s23], $0x4000  }
0x36: {  	s10 =	sor.u32 $0x1800, s28;
	[sflag:s23] =	ssyncset.done $0x0  }
0x37: {  	s24 =	sadd.s32 s24, s10;
	s25 =	simm.s32 $0x8;
	[sflag:s23] =	ssyncadd.s32 $0xFFFFC000  }
0x38: {  	[hbm4b:s24+s4] =	stream.linear.scatter [tilespmem:s13], [sflag:$0x8], $0x4000, $0x38;
	[tilespmem:$0x10400] =	vst v63  }
0x39: {  	_ =	swait.ge [sflag:s25], $0x4000  }
0x3a: {  	[sflag:s25] =	ssyncset.done $0x0  }
0x3b: {  	s26 =	simm.s32 $0x380;
	[sflag:s25] =	ssyncadd.s32 $0xFFFFC000  }
0x3c: {  	[tilespmem:s13], [sflag:$0x4] =	stream.indirect.gather [hbm4b:s3+s7], $0x80, s26, s7, $0xb8;
	[tilespmem:$0x10400] =	vst v63  }
0x3d: {  	_ =	swait.ge [sflag:s14], $0x4000  }
0x3e: {  	[sflag:s14] =	ssyncset.done $0x0  }
0x3f: {  	s28 =	sadd.s32 s31, s28;
	[sflag:s14] =	ssyncadd.s32 $0xFFFFC000  }
0x40: {  	[hbm4b:s28+s4] =	stream.linear.scatter [tilespmem:s8], [sflag:$0x5], $0x4000, $0x38;
	[tilespmem:$0x10400] =	vst v63  }
0x41: {  	_ =	swait.ge [sflag:s16], $0x4000  }
0x42: {  	[sflag:s16] =	ssyncset.done $0x0  }
0x43: {  	s29 =	sadd.s32 s31, s29;
	[sflag:s16] =	ssyncadd.s32 $0xFFFFC000  }
0x44: {  	[hbm4b:s29+s4] =	stream.linear.scatter [tilespmem:s9], [sflag:$0x6], $0x4000, $0x38;
	[tilespmem:$0x10400] =	vst v63  }
0x45: {  	_ =	swait.ge [sflag:s19], $0x4000  }
0x46: {  	[sflag:s19] =	ssyncset.done $0x0  }
0x47: {  	s30 =	sadd.s32 s31, s30;
	[sflag:s19] =	ssyncadd.s32 $0xFFFFC000  }
0x48: {  	[hbm4b:s30+s4] =	stream.linear.scatter [tilespmem:s11], [sflag:$0x7], $0x4000, $0x38;
	[tilespmem:$0x10400] =	vst v63  }
0x49: {  	_ =	swait.ge [sflag:s23], $0x4000  }
0x4a: {  	[sflag:s23] =	ssyncset.done $0x0  }
0x4b: {  	s31 =	sadd.s32 s31, s10;
	[sflag:s23] =	ssyncadd.s32 $0xFFFFC000  }
0x4c: {  	[hbm4b:s31+s4] =	stream.linear.scatter [tilespmem:s13], [sflag:$0x8], $0x4000, $0x38;
	[tilespmem:$0x10400] =	vst v63  }
0x4d: {  	s10 =	ssub.s32 $0x2, s2;
	_ =	swait.ge [sflag:s15], $0x4000  }
0x4e: {  	s2 =	sshrl.u32 s10, $0x1;
	[sflag:s15] =	ssyncset.done $0x0  }
0x4f: {  	s0 =	ssub.s32 s10, s2;
	[sflag:s15] =	ssyncadd.s32 $0xFFFFC000  }
0x50: {  	s0 =	smax.u32 s0, $0x1;
	_ =	swait.ge [sflag:s17], $0x4000  }
0x51: {  	p0 =	sne.s32 s0, $0x1;
	[sflag:s17] =	ssyncset.done $0x0  }
.Ltmp0:
0x52: {  	[sflag:s17] =	ssyncadd.s32 $0xFFFFC000;
	(pc) =	sbr.rel @!p0 .LBB2_2-.Ltmp0, $4  }
0x53: {  	_ =	swait.ge [sflag:s21], $0x4000  }
0x54: {  	[sflag:s21] =	ssyncset.done $0x0  }
0x55: {  	[sflag:s21] =	ssyncadd.s32 $0xFFFFC000  }
0x56: {  	s2 =	sadd.s32 $0xFFFFFFFF, s0;
	_ =	swait.ge [sflag:s25], $0x4000  }
.LBB2_1:
0x57: {  	[sflag:s25] =	ssyncset.done $0x0  }
0x58: {  	s0 =	rddreg [dreg:$0x7];
	[sflag:s25] =	ssyncadd.s32 $0xFFFFC000  }
0x59: {  	[tilespmem:s4], [sflag:$0x9] =	stream.linear.gather [hbm4b:s0+s4], $0x200, $0x38;
	[tilespmem:$0x10400] =	vst v63  }
0x5a: {  	s10 =	rddreg [dreg:$0x8]  }
0x5b: {  	[tilespmem:s5], [sflag:$0x9] =	stream.linear.gather [hbm4b:s10+s4], $0x200, $0x38;
	[tilespmem:$0x10400] =	vst v63  }
0x5c: {  	_ =	swait.ge [sflag:s6], $0x200  }
0x5d: {  	[sflag:s6] =	ssyncset.done $0x0  }
0x5e: {  	[sflag:s6] =	ssyncadd.s32 $0xFFFFFE00  }
0x5f: {  	_ =	swait.ge [sflag:s6], $0x200  }
0x60: {  	[sflag:s6] =	ssyncset.done $0x0  }
0x61: {  	[sflag:s6] =	ssyncadd.s32 $0xFFFFFE00  }
0x62: {  	[tilespmem:s8], [sflag:$0x1] =	stream.indirect.gather [hbm4b:s1+s7], $0x80, s4, s7, $0xb8;
	[tilespmem:$0x10400] =	vst v63  }
0x63: {  	_ = 	snop  }
0x64: {  	[tilespmem:s9], [sflag:$0x2] =	stream.indirect.gather [hbm4b:s1+s7], $0x80, s7, s7, $0xb8;
	[tilespmem:$0x10400] =	vst v63  }
0x65: {  	s10 =	simm.s32 $0x100  }
0x66: {  	[tilespmem:s11], [sflag:$0x3] =	stream.indirect.gather [hbm4b:s1+s7], $0x80, s10, s7, $0xb8;
	[tilespmem:$0x10400] =	vst v63  }
0x67: {  	_ = 	snop  }
0x68: {  	[tilespmem:s13], [sflag:$0x4] =	stream.indirect.gather [hbm4b:s1+s7], $0x80, s12, s7, $0xb8;
	[tilespmem:$0x10400] =	vst v63  }
0x69: {  	_ =	swait.ge [sflag:s14], $0x4000  }
0x6a: {  	[sflag:s14] =	ssyncset.done $0x0  }
0x6b: {  	s10 =	rddreg [dreg:$0x9];
	[sflag:s14] =	ssyncadd.s32 $0xFFFFC000  }
0x6c: {  	[hbm4b:s10+s4] =	stream.linear.scatter [tilespmem:s8], [sflag:$0x5], $0x4000, $0x38;
	[tilespmem:$0x10400] =	vst v63  }
0x6d: {  	_ =	swait.ge [sflag:s15], $0x4000  }
0x6e: {  	[sflag:s15] =	ssyncset.done $0x0  }
0x6f: {  	[sflag:s15] =	ssyncadd.s32 $0xFFFFC000  }
0x70: {  	[tilespmem:s8], [sflag:$0x1] =	stream.indirect.gather [hbm4b:s3+s7], $0x80, s5, s7, $0xb8;
	[tilespmem:$0x10400] =	vst v63  }
0x71: {  	_ =	swait.ge [sflag:s16], $0x4000  }
0x72: {  	[sflag:s16] =	ssyncset.done $0x0  }
0x73: {  	s10 =	rddreg [dreg:$0xa];
	[sflag:s16] =	ssyncadd.s32 $0xFFFFC000  }
0x74: {  	[hbm4b:s10+s4] =	stream.linear.scatter [tilespmem:s9], [sflag:$0x6], $0x4000, $0x38;
	[tilespmem:$0x10400] =	vst v63  }
0x75: {  	_ =	swait.ge [sflag:s17], $0x4000  }
0x76: {  	[sflag:s17] =	ssyncset.done $0x0  }
0x77: {  	[sflag:s17] =	ssyncadd.s32 $0xFFFFC000  }
0x78: {  	[tilespmem:s9], [sflag:$0x2] =	stream.indirect.gather [hbm4b:s3+s7], $0x80, s18, s7, $0xb8;
	[tilespmem:$0x10400] =	vst v63  }
0x79: {  	_ =	swait.ge [sflag:s19], $0x4000  }
0x7a: {  	[sflag:s19] =	ssyncset.done $0x0  }
0x7b: {  	[sflag:s19] =	ssyncadd.s32 $0xFFFFC000  }
0x7c: {  	[hbm4b:s20+s4] =	stream.linear.scatter [tilespmem:s11], [sflag:$0x7], $0x4000, $0x38;
	[tilespmem:$0x10400] =	vst v63  }
0x7d: {  	_ =	swait.ge [sflag:s21], $0x4000  }
0x7e: {  	[sflag:s21] =	ssyncset.done $0x0  }
0x7f: {  	[sflag:s21] =	ssyncadd.s32 $0xFFFFC000  }
0x80: {  	[tilespmem:s11], [sflag:$0x3] =	stream.indirect.gather [hbm4b:s3+s7], $0x80, s22, s7, $0xb8;
	[tilespmem:$0x10400] =	vst v63  }
0x81: {  	_ =	swait.ge [sflag:s23], $0x4000  }
0x82: {  	[sflag:s23] =	ssyncset.done $0x0  }
0x83: {  	[sflag:s23] =	ssyncadd.s32 $0xFFFFC000  }
0x84: {  	[hbm4b:s24+s4] =	stream.linear.scatter [tilespmem:s13], [sflag:$0x8], $0x4000, $0x38;
	[tilespmem:$0x10400] =	vst v63  }
0x85: {  	_ =	swait.ge [sflag:s25], $0x4000  }
0x86: {  	[sflag:s25] =	ssyncset.done $0x0  }
0x87: {  	[sflag:s25] =	ssyncadd.s32 $0xFFFFC000  }
0x88: {  	[tilespmem:s13], [sflag:$0x4] =	stream.indirect.gather [hbm4b:s3+s7], $0x80, s26, s7, $0xb8;
	[tilespmem:$0x10400] =	vst v63  }
0x89: {  	_ =	swait.ge [sflag:s14], $0x4000  }
0x8a: {  	[sflag:s14] =	ssyncset.done $0x0  }
0x8b: {  	[sflag:s14] =	ssyncadd.s32 $0xFFFFC000  }
0x8c: {  	[hbm4b:s28+s4] =	stream.linear.scatter [tilespmem:s8], [sflag:$0x5], $0x4000, $0x38;
	[tilespmem:$0x10400] =	vst v63  }
0x8d: {  	_ =	swait.ge [sflag:s16], $0x4000  }
0x8e: {  	[sflag:s16] =	ssyncset.done $0x0  }
0x8f: {  	[sflag:s16] =	ssyncadd.s32 $0xFFFFC000  }
0x90: {  	[hbm4b:s29+s4] =	stream.linear.scatter [tilespmem:s9], [sflag:$0x6], $0x4000, $0x38;
	[tilespmem:$0x10400] =	vst v63  }
0x91: {  	_ =	swait.ge [sflag:s19], $0x4000  }
0x92: {  	[sflag:s19] =	ssyncset.done $0x0  }
0x93: {  	[sflag:s19] =	ssyncadd.s32 $0xFFFFC000  }
0x94: {  	[hbm4b:s30+s4] =	stream.linear.scatter [tilespmem:s11], [sflag:$0x7], $0x4000, $0x38;
	[tilespmem:$0x10400] =	vst v63  }
0x95: {  	_ =	swait.ge [sflag:s23], $0x4000  }
0x96: {  	[sflag:s23] =	ssyncset.done $0x0  }
0x97: {  	[sflag:s23] =	ssyncadd.s32 $0xFFFFC000  }
0x98: {  	[hbm4b:s31+s4] =	stream.linear.scatter [tilespmem:s13], [sflag:$0x8], $0x4000, $0x38;
	[tilespmem:$0x10400] =	vst v63  }
0x99: {  	_ =	swait.ge [sflag:s15], $0x4000  }
0x9a: {  	[sflag:s15] =	ssyncset.done $0x0  }
0x9b: {  	[sflag:s15] =	ssyncadd.s32 $0xFFFFC000  }
0x9c: {  	_ =	swait.ge [sflag:s17], $0x4000  }
0x9d: {  	p0 =	sne.s32 s2, $0x1;
	[sflag:s17] =	ssyncset.done $0x0  }
.Ltmp1:
0x9e: {  	[sflag:s17] =	ssyncadd.s32 $0xFFFFC000;
	(pc) =	sbr.rel @p0 .LBB2_1-.Ltmp1, $4  }
0x9f: {  	_ =	swait.ge [sflag:s21], $0x4000  }
0xa0: {  	[sflag:s21] =	ssyncset.done $0x0  }
0xa1: {  	[sflag:s21] =	ssyncadd.s32 $0xFFFFC000  }
0xa2: {  	s2 =	sadd.s32 $0xFFFFFFFF, s2;
	_ =	swait.ge [sflag:s25], $0x4000  }
.LBB2_2:
0xa3: {  	[sflag:s25] =	ssyncset.done $0x0  }
0xa4: {  	[sflag:s25] =	ssyncadd.s32 $0xFFFFC000  }
0xa5: {  	_ =	sfence.sel $0x180000  }
0xa6: {  	[bflag:$0x0] =	sbarrier.arrive $0xFFFF  }
0xa7: {  	_ =	strace $0x90000047  }
0xa8: {  	s0 =	stileid.u32;
	[bflag:$0x2] =	sbarrier.arrive $0xFFFF  }
0xa9: {  	p0 =	sne.s32 s0, $0x0;
	s0 =	rddreg [dreg:$0x6]  }
0xaa: {  	s0 =	sadd.s32 @!p0 $0x100000, s0  }
0xab: {  	[sflag:s0] =	ssyncadd.tile.s32 @!p0 $0x1;
	_ =	shalt  }
.Lfunc_end2:
_tile_overlayer_lowered:
.L_overlay_start_2:
0xac: {  	(tag) =	ssettag $0x2  }
0xad: {  	s0 =	rddreg [dreg:$0x0];
	s2 =	stileid.u32  }
0xae: {  	s1 =	rddreg [dreg:$0x1];
	p0 =	sne.s32 s2, $0x0  }
0xaf: {  	s3 =	rddreg [dreg:$0x2];
	[bflag:$0x3] =	sbarrier.arrive $0xFFFF;
	s2 =	simm.s32 @!p0 $0x1C0A  }
0xb0: {  	[timem:s3], [sflag:s2] =	dma.local @!p0 [hbm:s0], s1  }
0xb1: {  	s0 =	simm.s32 @!p0 $0xA  }
0xb2: {  	_ =	swait.ge @!p0 [sflag:s0], s1  }
0xb3: {  	s1 =	ssub.s32 @!p0 $0x0, s1;
	[sflag:s0] =	ssyncset.done @!p0 $0x0  }
0xb4: {  	[sflag:s0] =	ssyncadd.s32 @!p0 s1  }
0xb5: {  	[bflag:$0x3] =	sbarrier.arrive $0xFFFF  }
0xb6: {  	_ =	shalt  }

</sc_bundles>
